<compile_context>
chip_gen: v7x
topology: tpu7x:2x2x1
jax: 0.10.2.dev20260603
libtpu: 0.0.44.dev20260713+nightly
codegen_flags: <defaults>
</compile_context>

<pallas_src>
import functools

import jax
import jax.numpy as jnp
from jax import lax
from jax.experimental import pallas as pl
from jax.experimental.pallas import tpu as pltpu
from jax.experimental.pallas import tpu_sc as plsc

A = 100000
D = 200
DP = 256
C = 16384
K = 16
B = 1024

NC = 2
NS = 16
NW = NC * NS
CW = C // NW
NCH = 8
RCH = NCH * K
NCHUNK = CW // NCH

OFFS = tuple(range(0, DP, 16))


def _sc_gather_sum(table, idx_flat):
    mesh = plsc.VectorSubcoreMesh(core_axis_name="c", subcore_axis_name="s")

    @functools.partial(
        pl.kernel,
        out_type=jax.ShapeDtypeStruct((C, DP), jnp.float32),
        mesh=mesh,
        scratch_types=[
            pltpu.VMEM((CW * K,), jnp.int32),
            pltpu.VMEM((RCH, DP), jnp.float32),
            pltpu.VMEM((NCH, DP), jnp.float32),
            pltpu.SemaphoreType.DMA,
        ],
        compiler_params=pltpu.CompilerParams(use_tc_tiling_on_sc=True),
    )
    def body(table_hbm, idx_hbm, out_hbm, idx_v, stg_v, acc_v, sem):
        cid = lax.axis_index("c")
        sid = lax.axis_index("s")
        wid = sid * NC + cid
        base = wid * CW
        pltpu.sync_copy(idx_hbm.at[pl.ds(base * K, CW * K)], idx_v)

        @pl.loop(0, NCHUNK)
        def _chunk(ch):
            roff = pl.multiple_of(ch * RCH, 8)
            pltpu.async_copy(
                table_hbm.at[idx_v.at[pl.ds(roff, RCH)]], stg_v, sem
            ).wait()

            @pl.loop(0, NCH)
            def _concept(i):
                row0 = i * K

                def kbody(k, accs):
                    return tuple(
                        a + stg_v[row0 + k, pl.ds(o, 16)]
                        for a, o in zip(accs, OFFS)
                    )

                accs = tuple(stg_v[row0, pl.ds(o, 16)] for o in OFFS)
                accs = lax.fori_loop(1, K, kbody, accs)
                for a, o in zip(accs, OFFS):
                    acc_v[i, pl.ds(o, 16)] = a

            pltpu.sync_copy(acc_v, out_hbm.at[pl.ds(base + ch * NCH, NCH)])

    return body(table, idx_flat)


def _tc_head(x2, local_h):
    bt = 128

    def body(x_ref, h_ref, o_ref):
        logits = lax.dot_general(
            x_ref[...], h_ref[...], (((1,), (1,)), ((), ())),
            preferred_element_type=jnp.float32,
            precision=lax.Precision.DEFAULT,
        )
        m = jnp.max(logits, axis=1, keepdims=True)
        e = jnp.exp(logits - m)
        o_ref[...] = e / jnp.sum(e, axis=1, keepdims=True)

    return pl.pallas_call(
        body,
        grid=(B // bt,),
        in_specs=[
            pl.BlockSpec((bt, DP), lambda i: (i, 0)),
            pl.BlockSpec((C, DP), lambda i: (0, 0)),
        ],
        out_specs=pl.BlockSpec((bt, C), lambda i: (i, 0)),
        out_shape=jax.ShapeDtypeStruct((B, C), jnp.float32),
    )(x2, local_h)


def kernel(x, y, embed_weight, anc_idx):
    idx_flat = anc_idx.reshape(-1).astype(jnp.int32)
    tpad = jnp.pad(embed_weight, ((0, 0), (0, DP - D)))
    xpad = jnp.pad(x.reshape(B, D), ((0, 0), (0, DP - D)))
    local_h = _sc_gather_sum(tpad, idx_flat)
    return _tc_head(xpad, local_h)

# --- scband reference (transcript-rebuilt; emitter-appended) ---
"""Pipeline reference for scband-concept-embed-model-65695819759690 (READ-ONLY COPY).

The authoritative reference and input builder live on the scoring server;
editing this copy changes nothing except your own understanding.
"""

import jax, jax.numpy as jnp
import numpy as np

A = 100000   # vocab size (a)
D = 200      # embedding_dim (forced by H buffer width)
C = 16384    # number of concepts
K = 16       # ancestors per concept (ancestor_hierarchy.rows[i])
B = 1024     # batch


def setup_inputs(seed: int = 0) -> dict:
    key = jax.random.key(seed)
    k1, k2, k3, k4 = jax.random.split(key, 4)
    embed_weight = jax.random.normal(k1, (A, D), dtype=jnp.float32)  # embed1.weight (pretrained)
    anc_idx = jax.random.randint(k2, (C, K), 0, A, dtype=jnp.int64)   # flattened ancestor_hierarchy.rows
    x = jax.random.normal(k3, (B, 1, D), dtype=jnp.float32)
    y = jax.random.randint(k4, (B,), 0, A, dtype=jnp.int64)           # unused by forward, kept for signature parity
    return {"x": x, "y": y, "embed_weight": embed_weight, "anc_idx": anc_idx}


def reference(x, y, embed_weight, anc_idx):
    # Per-concept sum of ancestor embeddings (the python loop in torch, vectorized):
    # local_H[i] = embed1(ancestor_hierarchy.rows[i]).sum(0)
    gathered = jnp.take(embed_weight, anc_idx, axis=0)      # [C, K, D] gather
    local_H = gathered.sum(axis=1)                           # [C, D]
    # concept_vector = local_H @ x.squeeze(1).T -> [C, B]
    concept_vector = local_H @ jnp.transpose(x.squeeze(1))   # [C, B]
    # output = softmax(concept_vector.T, dim=1) -> [B, C]
    out = jax.nn.softmax(jnp.transpose(concept_vector), axis=1)
    return out

if __name__ == "__main__":
    import jax
    _d = setup_inputs()
    print(jax.jit(kernel)(*tuple(_d.values())))

</pallas_src>

<mosaic_0001>
#map = affine_map<(d0, d1) -> (0, 0)>
#map1 = affine_map<(d0, d1) -> (0)>
module attributes {stable_mosaic.version = 14 : i64} {
  func.func @body(%arg0: i32, %arg1: i32, %arg2: memref<100000x256xf32, #tpu.memory_space<hbm>>, %arg3: memref<262144xi32, #tpu.memory_space<hbm>>, %arg4: memref<16384x256xf32, #tpu.memory_space<hbm>>, %arg5: memref<8192xi32, #tpu.memory_space<vmem>>, %arg6: memref<128x256xf32, #tpu.memory_space<vmem>>, %arg7: memref<8x256xf32, #tpu.memory_space<vmem>>, %arg8: memref<!tpu.dma_semaphore, #tpu.memory_space<semaphore_mem>>) attributes {dimension_semantics = [#tpu.dimension_semantics<core_parallel>, #tpu.dimension_semantics<subcore_parallel>], iteration_bounds = array<i64: 2, 16>, scalar_prefetch = 0 : i64, scratch_operands = 4 : i64, tpu.core_type = #tpu.core_type<sc_vector_subcore>, window_params = [{transform_indices = #map}, {transform_indices = #map1}, {transform_indices = #map}]} {
    %mul3A = arith.constant 2 : i32
    %mul3A_0 = arith.muli %arg1, %mul3A : i32
    %add3A = arith.addi %mul3A_0, %arg0 : i32
    %mul3A_1 = arith.constant 512 : i32
    %mul3A_2 = arith.muli %add3A, %mul3A_1 : i32
    %mul3A_3 = arith.constant 16 : i32
    %mul3A_4 = arith.muli %mul3A_2, %mul3A_3 : i32
    "tpu.region"() ({
      %run_scoped3A = tpu.sem_alloc : memref<!tpu.dma_semaphore, #tpu.memory_space<semaphore_mem>>
      %dma_start3A = tpu.memref_slice %arg3[%mul3A_4] : memref<262144xi32, #tpu.memory_space<hbm>> -> memref<8192xi32, #tpu.memory_space<hbm>>
      %dma_start3A_9 = tpu.memref_slice %arg3[%mul3A_4] : memref<262144xi32, #tpu.memory_space<hbm>> -> memref<8192xi32, #tpu.memory_space<hbm>>
      tpu.enqueue_dma source(%dma_start3A_9 : memref<8192xi32, #tpu.memory_space<hbm>>) target(%arg5 : memref<8192xi32, #tpu.memory_space<vmem>>) target_semaphore(%run_scoped3A : memref<!tpu.dma_semaphore, #tpu.memory_space<semaphore_mem>>)
      %dma_wait3A = tpu.memref_slice %arg3[%mul3A_4] : memref<262144xi32, #tpu.memory_space<hbm>> -> memref<8192xi32, #tpu.memory_space<hbm>>
      %dma_wait3A_10 = tpu.memref_slice %arg3[%mul3A_4] : memref<262144xi32, #tpu.memory_space<hbm>> -> memref<8192xi32, #tpu.memory_space<hbm>>
      tpu.wait_dma2 semaphore(%run_scoped3A : memref<!tpu.dma_semaphore, #tpu.memory_space<semaphore_mem>>) src(%dma_wait3A_10 : memref<8192xi32, #tpu.memory_space<hbm>>) dst(%arg5 : memref<8192xi32, #tpu.memory_space<vmem>>)
      tpu.yield
    }) : () -> ()
    %scan3A = arith.constant 0 : i32
    %scan3A_5 = arith.constant 64 : i32
    %scan3A_6 = arith.addi %scan3A, %scan3A_5 : i32
    %scan3A_7 = arith.constant 1 : i32
    scf.for %scan3A_9 = %scan3A to %scan3A_6 step %scan3A_7  : i32 {
      %mul3A_10 = arith.constant 1 : i32
      %mul3A_11 = arith.muli %scan3A_9, %mul3A_10 : i32
      %add3A_12 = arith.constant 0 : i32
      %add3A_13 = arith.addi %add3A_12, %mul3A_11 : i32
      %mul3A_14 = arith.constant 128 : i32
      %mul3A_15 = arith.muli %add3A_13, %mul3A_14 : i32
      %multiple_of3A = tpu.assume_multiple %mul3A_15, 8 : i32
      %dma_start3A = tpu.memref_slice %arg5[%multiple_of3A] : memref<8192xi32, #tpu.memory_space<vmem>> -> memref<128xi32, #tpu.memory_space<vmem>>
      %dma_start3A_16 = arith.constant 0 : i32
      %dma_start3A_17 = arith.constant 0 : i32
      %dma_start3A_18 = tpu.memref_slice %arg2[%dma_start3A_16, %dma_start3A_17] : memref<100000x256xf32, #tpu.memory_space<hbm>> -> memref<100000x256xf32, #tpu.memory_space<hbm>>
      tpu.enqueue_indirect_dma source(%dma_start3A_18 : memref<100000x256xf32, #tpu.memory_space<hbm>>) target(%arg6 : memref<128x256xf32, #tpu.memory_space<vmem>>) offsets(%dma_start3A : memref<128xi32, #tpu.memory_space<vmem>>) semaphore(%arg8 : memref<!tpu.dma_semaphore, #tpu.memory_space<semaphore_mem>>)
      %dma_wait3A = tpu.memref_slice %arg5[%multiple_of3A] : memref<8192xi32, #tpu.memory_space<vmem>> -> memref<128xi32, #tpu.memory_space<vmem>>
      %dma_wait3A_19 = arith.constant 0 : i32
      %dma_wait3A_20 = arith.constant 0 : i32
      %dma_wait3A_21 = tpu.memref_slice %arg2[%dma_wait3A_19, %dma_wait3A_20] : memref<100000x256xf32, #tpu.memory_space<hbm>> -> memref<100000x256xf32, #tpu.memory_space<hbm>>
      tpu.wait_indirect_dma semaphore(%arg8 : memref<!tpu.dma_semaphore, #tpu.memory_space<semaphore_mem>>) src(%dma_wait3A_21 : memref<100000x256xf32, #tpu.memory_space<hbm>>) dst(%arg6 : memref<128x256xf32, #tpu.memory_space<vmem>>)
      %scan3A_22 = arith.constant 0 : i32
      %scan3A_23 = arith.constant 8 : i32
      %scan3A_24 = arith.addi %scan3A_22, %scan3A_23 : i32
      %scan3A_25 = arith.constant 1 : i32
      scf.for %scan3A_30 = %scan3A_22 to %scan3A_24 step %scan3A_25  : i32 {
        %mul3A_31 = arith.constant 1 : i32
        %mul3A_32 = arith.muli %scan3A_30, %mul3A_31 : i32
        %add3A_33 = arith.constant 0 : i32
        %add3A_34 = arith.addi %add3A_33, %mul3A_32 : i32
        %mul3A_35 = arith.constant 16 : i32
        %mul3A_36 = arith.muli %add3A_34, %mul3A_35 : i32
        %get3A = arith.index_cast %mul3A_36 : i32 to index
        %get3A_37 = arith.constant 0 : index
        %get3A_38 = tpu.vector_load %arg6[%get3A, %get3A_37] {strides = array<i32>} : memref<128x256xf32, #tpu.memory_space<vmem>>, vector<1x16xf32>,
        %get3A_39 = vector.shape_cast %get3A_38 : vector<1x16xf32> to vector<16xf32>
        %get3A_40 = arith.index_cast %mul3A_36 : i32 to index
        %get3A_41 = arith.constant 16 : index
        %get3A_42 = tpu.vector_load %arg6[%get3A_40, %get3A_41] {strides = array<i32>} : memref<128x256xf32, #tpu.memory_space<vmem>>, vector<1x16xf32>,
        %get3A_43 = vector.shape_cast %get3A_42 : vector<1x16xf32> to vector<16xf32>
        %get3A_44 = arith.index_cast %mul3A_36 : i32 to index
        %get3A_45 = arith.constant 32 : index
        %get3A_46 = tpu.vector_load %arg6[%get3A_44, %get3A_45] {strides = array<i32>} : memref<128x256xf32, #tpu.memory_space<vmem>>, vector<1x16xf32>,
        %get3A_47 = vector.shape_cast %get3A_46 : vector<1x16xf32> to vector<16xf32>
        %get3A_48 = arith.index_cast %mul3A_36 : i32 to index
        %get3A_49 = arith.constant 48 : index
        %get3A_50 = tpu.vector_load %arg6[%get3A_48, %get3A_49] {strides = array<i32>} : memref<128x256xf32, #tpu.memory_space<vmem>>, vector<1x16xf32>,
        %get3A_51 = vector.shape_cast %get3A_50 : vector<1x16xf32> to vector<16xf32>
        %get3A_52 = arith.index_cast %mul3A_36 : i32 to index
        %get3A_53 = arith.constant 64 : index
        %get3A_54 = tpu.vector_load %arg6[%get3A_52, %get3A_53] {strides = array<i32>} : memref<128x256xf32, #tpu.memory_space<vmem>>, vector<1x16xf32>,
        %get3A_55 = vector.shape_cast %get3A_54 : vector<1x16xf32> to vector<16xf32>
        %get3A_56 = arith.index_cast %mul3A_36 : i32 to index
        %get3A_57 = arith.constant 80 : index
        %get3A_58 = tpu.vector_load %arg6[%get3A_56, %get3A_57] {strides = array<i32>} : memref<128x256xf32, #tpu.memory_space<vmem>>, vector<1x16xf32>,
        %get3A_59 = vector.shape_cast %get3A_58 : vector<1x16xf32> to vector<16xf32>
        %get3A_60 = arith.index_cast %mul3A_36 : i32 to index
        %get3A_61 = arith.constant 96 : index
        %get3A_62 = tpu.vector_load %arg6[%get3A_60, %get3A_61] {strides = array<i32>} : memref<128x256xf32, #tpu.memory_space<vmem>>, vector<1x16xf32>,
        %get3A_63 = vector.shape_cast %get3A_62 : vector<1x16xf32> to vector<16xf32>
        %get3A_64 = arith.index_cast %mul3A_36 : i32 to index
        %get3A_65 = arith.constant 112 : index
        %get3A_66 = tpu.vector_load %arg6[%get3A_64, %get3A_65] {strides = array<i32>} : memref<128x256xf32, #tpu.memory_space<vmem>>, vector<1x16xf32>,
        %get3A_67 = vector.shape_cast %get3A_66 : vector<1x16xf32> to vector<16xf32>
        %get3A_68 = arith.index_cast %mul3A_36 : i32 to index
        %get3A_69 = arith.constant 128 : index
        %get3A_70 = tpu.vector_load %arg6[%get3A_68, %get3A_69] {strides = array<i32>} : memref<128x256xf32, #tpu.memory_space<vmem>>, vector<1x16xf32>,
        %get3A_71 = vector.shape_cast %get3A_70 : vector<1x16xf32> to vector<16xf32>
        %get3A_72 = arith.index_cast %mul3A_36 : i32 to index
        %get3A_73 = arith.constant 144 : index
        %get3A_74 = tpu.vector_load %arg6[%get3A_72, %get3A_73] {strides = array<i32>} : memref<128x256xf32, #tpu.memory_space<vmem>>, vector<1x16xf32>,
        %get3A_75 = vector.shape_cast %get3A_74 : vector<1x16xf32> to vector<16xf32>
        %get3A_76 = arith.index_cast %mul3A_36 : i32 to index
        %get3A_77 = arith.constant 160 : index
        %get3A_78 = tpu.vector_load %arg6[%get3A_76, %get3A_77] {strides = array<i32>} : memref<128x256xf32, #tpu.memory_space<vmem>>, vector<1x16xf32>,
        %get3A_79 = vector.shape_cast %get3A_78 : vector<1x16xf32> to vector<16xf32>
        %get3A_80 = arith.index_cast %mul3A_36 : i32 to index
        %get3A_81 = arith.constant 176 : index
        %get3A_82 = tpu.vector_load %arg6[%get3A_80, %get3A_81] {strides = array<i32>} : memref<128x256xf32, #tpu.memory_space<vmem>>, vector<1x16xf32>,
        %get3A_83 = vector.shape_cast %get3A_82 : vector<1x16xf32> to vector<16xf32>
        %get3A_84 = arith.index_cast %mul3A_36 : i32 to index
        %get3A_85 = arith.constant 192 : index
        %get3A_86 = tpu.vector_load %arg6[%get3A_84, %get3A_85] {strides = array<i32>} : memref<128x256xf32, #tpu.memory_space<vmem>>, vector<1x16xf32>,
        %get3A_87 = vector.shape_cast %get3A_86 : vector<1x16xf32> to vector<16xf32>
        %get3A_88 = arith.index_cast %mul3A_36 : i32 to index
        %get3A_89 = arith.constant 208 : index
        %get3A_90 = tpu.vector_load %arg6[%get3A_88, %get3A_89] {strides = array<i32>} : memref<128x256xf32, #tpu.memory_space<vmem>>, vector<1x16xf32>,
        %get3A_91 = vector.shape_cast %get3A_90 : vector<1x16xf32> to vector<16xf32>
        %get3A_92 = arith.index_cast %mul3A_36 : i32 to index
        %get3A_93 = arith.constant 224 : index
        %get3A_94 = tpu.vector_load %arg6[%get3A_92, %get3A_93] {strides = array<i32>} : memref<128x256xf32, #tpu.memory_space<vmem>>, vector<1x16xf32>,
        %get3A_95 = vector.shape_cast %get3A_94 : vector<1x16xf32> to vector<16xf32>
        %get3A_96 = arith.index_cast %mul3A_36 : i32 to index
        %get3A_97 = arith.constant 240 : index
        %get3A_98 = tpu.vector_load %arg6[%get3A_96, %get3A_97] {strides = array<i32>} : memref<128x256xf32, #tpu.memory_space<vmem>>, vector<1x16xf32>,
        %get3A_99 = vector.shape_cast %get3A_98 : vector<1x16xf32> to vector<16xf32>
        %scan3A_100 = arith.constant 1 : i32
        %scan3A_101 = arith.constant 15 : i32
        %scan3A_102 = arith.addi %scan3A_100, %scan3A_101 : i32
        %scan3A_103 = arith.constant 1 : i32
        %scan3A_104:16 = scf.for %scan3A_185 = %scan3A_100 to %scan3A_102 step %scan3A_103 iter_args(%scan3A_186 = %get3A_39, %scan3A_187 = %get3A_43, %scan3A_188 = %get3A_47, %scan3A_189 = %get3A_51, %scan3A_190 = %get3A_55, %scan3A_191 = %get3A_59, %scan3A_192 = %get3A_63, %scan3A_193 = %get3A_67, %scan3A_194 = %get3A_71, %scan3A_195 = %get3A_75, %scan3A_196 = %get3A_79, %scan3A_197 = %get3A_83, %scan3A_198 = %get3A_87, %scan3A_199 = %get3A_91, %scan3A_200 = %get3A_95, %scan3A_201 = %get3A_99) -> (vector<16xf32>, vector<16xf32>, vector<16xf32>, vector<16xf32>, vector<16xf32>, vector<16xf32>, vector<16xf32>, vector<16xf32>, vector<16xf32>, vector<16xf32>, vector<16xf32>, vector<16xf32>, vector<16xf32>, vector<16xf32>, vector<16xf32>, vector<16xf32>)  : i32 {
          %add3A_202 = arith.addi %mul3A_36, %scan3A_185 : i32
          %get3A_203 = arith.index_cast %add3A_202 : i32 to index
          %get3A_204 = arith.constant 0 : index
          %get3A_205 = tpu.vector_load %arg6[%get3A_203, %get3A_204] {strides = array<i32>} : memref<128x256xf32, #tpu.memory_space<vmem>>, vector<1x16xf32>,
          %get3A_206 = vector.shape_cast %get3A_205 : vector<1x16xf32> to vector<16xf32>
          %add3A_207 = arith.addf %scan3A_186, %get3A_206 : vector<16xf32>
          %add3A_208 = arith.addi %mul3A_36, %scan3A_185 : i32
          %get3A_209 = arith.index_cast %add3A_208 : i32 to index
          %get3A_210 = arith.constant 16 : index
          %get3A_211 = tpu.vector_load %arg6[%get3A_209, %get3A_210] {strides = array<i32>} : memref<128x256xf32, #tpu.memory_space<vmem>>, vector<1x16xf32>,
          %get3A_212 = vector.shape_cast %get3A_211 : vector<1x16xf32> to vector<16xf32>
          %add3A_213 = arith.addf %scan3A_187, %get3A_212 : vector<16xf32>
          %add3A_214 = arith.addi %mul3A_36, %scan3A_185 : i32
          %get3A_215 = arith.index_cast %add3A_214 : i32 to index
          %get3A_216 = arith.constant 32 : index
          %get3A_217 = tpu.vector_load %arg6[%get3A_215, %get3A_216] {strides = array<i32>} : memref<128x256xf32, #tpu.memory_space<vmem>>, vector<1x16xf32>,
          %get3A_218 = vector.shape_cast %get3A_217 : vector<1x16xf32> to vector<16xf32>
          %add3A_219 = arith.addf %scan3A_188, %get3A_218 : vector<16xf32>
          %add3A_220 = arith.addi %mul3A_36, %scan3A_185 : i32
          %get3A_221 = arith.index_cast %add3A_220 : i32 to index
          %get3A_222 = arith.constant 48 : index
          %get3A_223 = tpu.vector_load %arg6[%get3A_221, %get3A_222] {strides = array<i32>} : memref<128x256xf32, #tpu.memory_space<vmem>>, vector<1x16xf32>,
          %get3A_224 = vector.shape_cast %get3A_223 : vector<1x16xf32> to vector<16xf32>
          %add3A_225 = arith.addf %scan3A_189, %get3A_224 : vector<16xf32>
          %add3A_226 = arith.addi %mul3A_36, %scan3A_185 : i32
          %get3A_227 = arith.index_cast %add3A_226 : i32 to index
          %get3A_228 = arith.constant 64 : index
          %get3A_229 = tpu.vector_load %arg6[%get3A_227, %get3A_228] {strides = array<i32>} : memref<128x256xf32, #tpu.memory_space<vmem>>, vector<1x16xf32>,
          %get3A_230 = vector.shape_cast %get3A_229 : vector<1x16xf32> to vector<16xf32>
          %add3A_231 = arith.addf %scan3A_190, %get3A_230 : vector<16xf32>
          %add3A_232 = arith.addi %mul3A_36, %scan3A_185 : i32
          %get3A_233 = arith.index_cast %add3A_232 : i32 to index
          %get3A_234 = arith.constant 80 : index
          %get3A_235 = tpu.vector_load %arg6[%get3A_233, %get3A_234] {strides = array<i32>} : memref<128x256xf32, #tpu.memory_space<vmem>>, vector<1x16xf32>,
          %get3A_236 = vector.shape_cast %get3A_235 : vector<1x16xf32> to vector<16xf32>
          %add3A_237 = arith.addf %scan3A_191, %get3A_236 : vector<16xf32>
          %add3A_238 = arith.addi %mul3A_36, %scan3A_185 : i32
          %get3A_239 = arith.index_cast %add3A_238 : i32 to index
          %get3A_240 = arith.constant 96 : index
          %get3A_241 = tpu.vector_load %arg6[%get3A_239, %get3A_240] {strides = array<i32>} : memref<128x256xf32, #tpu.memory_space<vmem>>, vector<1x16xf32>,
          %get3A_242 = vector.shape_cast %get3A_241 : vector<1x16xf32> to vector<16xf32>
          %add3A_243 = arith.addf %scan3A_192, %get3A_242 : vector<16xf32>
          %add3A_244 = arith.addi %mul3A_36, %scan3A_185 : i32
          %get3A_245 = arith.index_cast %add3A_244 : i32 to index
          %get3A_246 = arith.constant 112 : index
          %get3A_247 = tpu.vector_load %arg6[%get3A_245, %get3A_246] {strides = array<i32>} : memref<128x256xf32, #tpu.memory_space<vmem>>, vector<1x16xf32>,
          %get3A_248 = vector.shape_cast %get3A_247 : vector<1x16xf32> to vector<16xf32>
          %add3A_249 = arith.addf %scan3A_193, %get3A_248 : vector<16xf32>
          %add3A_250 = arith.addi %mul3A_36, %scan3A_185 : i32
          %get3A_251 = arith.index_cast %add3A_250 : i32 to index
          %get3A_252 = arith.constant 128 : index
          %get3A_253 = tpu.vector_load %arg6[%get3A_251, %get3A_252] {strides = array<i32>} : memref<128x256xf32, #tpu.memory_space<vmem>>, vector<1x16xf32>,
          %get3A_254 = vector.shape_cast %get3A_253 : vector<1x16xf32> to vector<16xf32>
          %add3A_255 = arith.addf %scan3A_194, %get3A_254 : vector<16xf32>
          %add3A_256 = arith.addi %mul3A_36, %scan3A_185 : i32
          %get3A_257 = arith.index_cast %add3A_256 : i32 to index
          %get3A_258 = arith.constant 144 : index
          %get3A_259 = tpu.vector_load %arg6[%get3A_257, %get3A_258] {strides = array<i32>} : memref<128x256xf32, #tpu.memory_space<vmem>>, vector<1x16xf32>,
          %get3A_260 = vector.shape_cast %get3A_259 : vector<1x16xf32> to vector<16xf32>
          %add3A_261 = arith.addf %scan3A_195, %get3A_260 : vector<16xf32>
          %add3A_262 = arith.addi %mul3A_36, %scan3A_185 : i32
          %get3A_263 = arith.index_cast %add3A_262 : i32 to index
          %get3A_264 = arith.constant 160 : index
          %get3A_265 = tpu.vector_load %arg6[%get3A_263, %get3A_264] {strides = array<i32>} : memref<128x256xf32, #tpu.memory_space<vmem>>, vector<1x16xf32>,
          %get3A_266 = vector.shape_cast %get3A_265 : vector<1x16xf32> to vector<16xf32>
          %add3A_267 = arith.addf %scan3A_196, %get3A_266 : vector<16xf32>
          %add3A_268 = arith.addi %mul3A_36, %scan3A_185 : i32
          %get3A_269 = arith.index_cast %add3A_268 : i32 to index
          %get3A_270 = arith.constant 176 : index
          %get3A_271 = tpu.vector_load %arg6[%get3A_269, %get3A_270] {strides = array<i32>} : memref<128x256xf32, #tpu.memory_space<vmem>>, vector<1x16xf32>,
          %get3A_272 = vector.shape_cast %get3A_271 : vector<1x16xf32> to vector<16xf32>
          %add3A_273 = arith.addf %scan3A_197, %get3A_272 : vector<16xf32>
          %add3A_274 = arith.addi %mul3A_36, %scan3A_185 : i32
          %get3A_275 = arith.index_cast %add3A_274 : i32 to index
          %get3A_276 = arith.constant 192 : index
          %get3A_277 = tpu.vector_load %arg6[%get3A_275, %get3A_276] {strides = array<i32>} : memref<128x256xf32, #tpu.memory_space<vmem>>, vector<1x16xf32>,
          %get3A_278 = vector.shape_cast %get3A_277 : vector<1x16xf32> to vector<16xf32>
          %add3A_279 = arith.addf %scan3A_198, %get3A_278 : vector<16xf32>
          %add3A_280 = arith.addi %mul3A_36, %scan3A_185 : i32
          %get3A_281 = arith.index_cast %add3A_280 : i32 to index
          %get3A_282 = arith.constant 208 : index
          %get3A_283 = tpu.vector_load %arg6[%get3A_281, %get3A_282] {strides = array<i32>} : memref<128x256xf32, #tpu.memory_space<vmem>>, vector<1x16xf32>,
          %get3A_284 = vector.shape_cast %get3A_283 : vector<1x16xf32> to vector<16xf32>
          %add3A_285 = arith.addf %scan3A_199, %get3A_284 : vector<16xf32>
          %add3A_286 = arith.addi %mul3A_36, %scan3A_185 : i32
          %get3A_287 = arith.index_cast %add3A_286 : i32 to index
          %get3A_288 = arith.constant 224 : index
          %get3A_289 = tpu.vector_load %arg6[%get3A_287, %get3A_288] {strides = array<i32>} : memref<128x256xf32, #tpu.memory_space<vmem>>, vector<1x16xf32>,
          %get3A_290 = vector.shape_cast %get3A_289 : vector<1x16xf32> to vector<16xf32>
          %add3A_291 = arith.addf %scan3A_200, %get3A_290 : vector<16xf32>
          %add3A_292 = arith.addi %mul3A_36, %scan3A_185 : i32
          %get3A_293 = arith.index_cast %add3A_292 : i32 to index
          %get3A_294 = arith.constant 240 : index
          %get3A_295 = tpu.vector_load %arg6[%get3A_293, %get3A_294] {strides = array<i32>} : memref<128x256xf32, #tpu.memory_space<vmem>>, vector<1x16xf32>,
          %get3A_296 = vector.shape_cast %get3A_295 : vector<1x16xf32> to vector<16xf32>
          %add3A_297 = arith.addf %scan3A_201, %get3A_296 : vector<16xf32>
          scf.yield %add3A_207, %add3A_213, %add3A_219, %add3A_225, %add3A_231, %add3A_237, %add3A_243, %add3A_249, %add3A_255, %add3A_261, %add3A_267, %add3A_273, %add3A_279, %add3A_285, %add3A_291, %add3A_297 : vector<16xf32>, vector<16xf32>, vector<16xf32>, vector<16xf32>, vector<16xf32>, vector<16xf32>, vector<16xf32>, vector<16xf32>, vector<16xf32>, vector<16xf32>, vector<16xf32>, vector<16xf32>, vector<16xf32>, vector<16xf32>, vector<16xf32>, vector<16xf32>
        }
        %scan3A_105 = arith.constant 15 : i32
        %swap3A = arith.index_cast %add3A_34 : i32 to index
        %swap3A_106 = arith.constant 0 : index
        %swap3A_107 = tpu.vector_load %arg7[%swap3A, %swap3A_106] {strides = array<i32>} : memref<8x256xf32, #tpu.memory_space<vmem>>, vector<1x16xf32>,
        %swap3A_108 = vector.shape_cast %swap3A_107 : vector<1x16xf32> to vector<16xf32>
        %swap3A_109 = vector.shape_cast %scan3A_104#0 : vector<16xf32> to vector<1x16xf32>
        tpu.vector_store %arg7[%swap3A, %swap3A_106], %swap3A_109 {strides = array<i32>} : memref<8x256xf32, #tpu.memory_space<vmem>>, vector<1x16xf32>,
        %swap3A_110 = arith.index_cast %add3A_34 : i32 to index
        %swap3A_111 = arith.constant 16 : index
        %swap3A_112 = tpu.vector_load %arg7[%swap3A_110, %swap3A_111] {strides = array<i32>} : memref<8x256xf32, #tpu.memory_space<vmem>>, vector<1x16xf32>,
        %swap3A_113 = vector.shape_cast %swap3A_112 : vector<1x16xf32> to vector<16xf32>
        %swap3A_114 = vector.shape_cast %scan3A_104#1 : vector<16xf32> to vector<1x16xf32>
        tpu.vector_store %arg7[%swap3A_110, %swap3A_111], %swap3A_114 {strides = array<i32>} : memref<8x256xf32, #tpu.memory_space<vmem>>, vector<1x16xf32>,
        %swap3A_115 = arith.index_cast %add3A_34 : i32 to index
        %swap3A_116 = arith.constant 32 : index
        %swap3A_117 = tpu.vector_load %arg7[%swap3A_115, %swap3A_116] {strides = array<i32>} : memref<8x256xf32, #tpu.memory_space<vmem>>, vector<1x16xf32>,
        %swap3A_118 = vector.shape_cast %swap3A_117 : vector<1x16xf32> to vector<16xf32>
        %swap3A_119 = vector.shape_cast %scan3A_104#2 : vector<16xf32> to vector<1x16xf32>
        tpu.vector_store %arg7[%swap3A_115, %swap3A_116], %swap3A_119 {strides = array<i32>} : memref<8x256xf32, #tpu.memory_space<vmem>>, vector<1x16xf32>,
        %swap3A_120 = arith.index_cast %add3A_34 : i32 to index
        %swap3A_121 = arith.constant 48 : index
        %swap3A_122 = tpu.vector_load %arg7[%swap3A_120, %swap3A_121] {strides = array<i32>} : memref<8x256xf32, #tpu.memory_space<vmem>>, vector<1x16xf32>,
        %swap3A_123 = vector.shape_cast %swap3A_122 : vector<1x16xf32> to vector<16xf32>
        %swap3A_124 = vector.shape_cast %scan3A_104#3 : vector<16xf32> to vector<1x16xf32>
        tpu.vector_store %arg7[%swap3A_120, %swap3A_121], %swap3A_124 {strides = array<i32>} : memref<8x256xf32, #tpu.memory_space<vmem>>, vector<1x16xf32>,
        %swap3A_125 = arith.index_cast %add3A_34 : i32 to index
        %swap3A_126 = arith.constant 64 : index
        %swap3A_127 = tpu.vector_load %arg7[%swap3A_125, %swap3A_126] {strides = array<i32>} : memref<8x256xf32, #tpu.memory_space<vmem>>, vector<1x16xf32>,
        %swap3A_128 = vector.shape_cast %swap3A_127 : vector<1x16xf32> to vector<16xf32>
        %swap3A_129 = vector.shape_cast %scan3A_104#4 : vector<16xf32> to vector<1x16xf32>
        tpu.vector_store %arg7[%swap3A_125, %swap3A_126], %swap3A_129 {strides = array<i32>} : memref<8x256xf32, #tpu.memory_space<vmem>>, vector<1x16xf32>,
        %swap3A_130 = arith.index_cast %add3A_34 : i32 to index
        %swap3A_131 = arith.constant 80 : index
        %swap3A_132 = tpu.vector_load %arg7[%swap3A_130, %swap3A_131] {strides = array<i32>} : memref<8x256xf32, #tpu.memory_space<vmem>>, vector<1x16xf32>,
        %swap3A_133 = vector.shape_cast %swap3A_132 : vector<1x16xf32> to vector<16xf32>
        %swap3A_134 = vector.shape_cast %scan3A_104#5 : vector<16xf32> to vector<1x16xf32>
        tpu.vector_store %arg7[%swap3A_130, %swap3A_131], %swap3A_134 {strides = array<i32>} : memref<8x256xf32, #tpu.memory_space<vmem>>, vector<1x16xf32>,
        %swap3A_135 = arith.index_cast %add3A_34 : i32 to index
        %swap3A_136 = arith.constant 96 : index
        %swap3A_137 = tpu.vector_load %arg7[%swap3A_135, %swap3A_136] {strides = array<i32>} : memref<8x256xf32, #tpu.memory_space<vmem>>, vector<1x16xf32>,
        %swap3A_138 = vector.shape_cast %swap3A_137 : vector<1x16xf32> to vector<16xf32>
        %swap3A_139 = vector.shape_cast %scan3A_104#6 : vector<16xf32> to vector<1x16xf32>
        tpu.vector_store %arg7[%swap3A_135, %swap3A_136], %swap3A_139 {strides = array<i32>} : memref<8x256xf32, #tpu.memory_space<vmem>>, vector<1x16xf32>,
        %swap3A_140 = arith.index_cast %add3A_34 : i32 to index
        %swap3A_141 = arith.constant 112 : index
        %swap3A_142 = tpu.vector_load %arg7[%swap3A_140, %swap3A_141] {strides = array<i32>} : memref<8x256xf32, #tpu.memory_space<vmem>>, vector<1x16xf32>,
        %swap3A_143 = vector.shape_cast %swap3A_142 : vector<1x16xf32> to vector<16xf32>
        %swap3A_144 = vector.shape_cast %scan3A_104#7 : vector<16xf32> to vector<1x16xf32>
        tpu.vector_store %arg7[%swap3A_140, %swap3A_141], %swap3A_144 {strides = array<i32>} : memref<8x256xf32, #tpu.memory_space<vmem>>, vector<1x16xf32>,
        %swap3A_145 = arith.index_cast %add3A_34 : i32 to index
        %swap3A_146 = arith.constant 128 : index
        %swap3A_147 = tpu.vector_load %arg7[%swap3A_145, %swap3A_146] {strides = array<i32>} : memref<8x256xf32, #tpu.memory_space<vmem>>, vector<1x16xf32>,
        %swap3A_148 = vector.shape_cast %swap3A_147 : vector<1x16xf32> to vector<16xf32>
        %swap3A_149 = vector.shape_cast %scan3A_104#8 : vector<16xf32> to vector<1x16xf32>
        tpu.vector_store %arg7[%swap3A_145, %swap3A_146], %swap3A_149 {strides = array<i32>} : memref<8x256xf32, #tpu.memory_space<vmem>>, vector<1x16xf32>,
        %swap3A_150 = arith.index_cast %add3A_34 : i32 to index
        %swap3A_151 = arith.constant 144 : index
        %swap3A_152 = tpu.vector_load %arg7[%swap3A_150, %swap3A_151] {strides = array<i32>} : memref<8x256xf32, #tpu.memory_space<vmem>>, vector<1x16xf32>,
        %swap3A_153 = vector.shape_cast %swap3A_152 : vector<1x16xf32> to vector<16xf32>
        %swap3A_154 = vector.shape_cast %scan3A_104#9 : vector<16xf32> to vector<1x16xf32>
        tpu.vector_store %arg7[%swap3A_150, %swap3A_151], %swap3A_154 {strides = array<i32>} : memref<8x256xf32, #tpu.memory_space<vmem>>, vector<1x16xf32>,
        %swap3A_155 = arith.index_cast %add3A_34 : i32 to index
        %swap3A_156 = arith.constant 160 : index
        %swap3A_157 = tpu.vector_load %arg7[%swap3A_155, %swap3A_156] {strides = array<i32>} : memref<8x256xf32, #tpu.memory_space<vmem>>, vector<1x16xf32>,
        %swap3A_158 = vector.shape_cast %swap3A_157 : vector<1x16xf32> to vector<16xf32>
        %swap3A_159 = vector.shape_cast %scan3A_104#10 : vector<16xf32> to vector<1x16xf32>
        tpu.vector_store %arg7[%swap3A_155, %swap3A_156], %swap3A_159 {strides = array<i32>} : memref<8x256xf32, #tpu.memory_space<vmem>>, vector<1x16xf32>,
        %swap3A_160 = arith.index_cast %add3A_34 : i32 to index
        %swap3A_161 = arith.constant 176 : index
        %swap3A_162 = tpu.vector_load %arg7[%swap3A_160, %swap3A_161] {strides = array<i32>} : memref<8x256xf32, #tpu.memory_space<vmem>>, vector<1x16xf32>,
        %swap3A_163 = vector.shape_cast %swap3A_162 : vector<1x16xf32> to vector<16xf32>
        %swap3A_164 = vector.shape_cast %scan3A_104#11 : vector<16xf32> to vector<1x16xf32>
        tpu.vector_store %arg7[%swap3A_160, %swap3A_161], %swap3A_164 {strides = array<i32>} : memref<8x256xf32, #tpu.memory_space<vmem>>, vector<1x16xf32>,
        %swap3A_165 = arith.index_cast %add3A_34 : i32 to index
        %swap3A_166 = arith.constant 192 : index
        %swap3A_167 = tpu.vector_load %arg7[%swap3A_165, %swap3A_166] {strides = array<i32>} : memref<8x256xf32, #tpu.memory_space<vmem>>, vector<1x16xf32>,
        %swap3A_168 = vector.shape_cast %swap3A_167 : vector<1x16xf32> to vector<16xf32>
        %swap3A_169 = vector.shape_cast %scan3A_104#12 : vector<16xf32> to vector<1x16xf32>
        tpu.vector_store %arg7[%swap3A_165, %swap3A_166], %swap3A_169 {strides = array<i32>} : memref<8x256xf32, #tpu.memory_space<vmem>>, vector<1x16xf32>,
        %swap3A_170 = arith.index_cast %add3A_34 : i32 to index
        %swap3A_171 = arith.constant 208 : index
        %swap3A_172 = tpu.vector_load %arg7[%swap3A_170, %swap3A_171] {strides = array<i32>} : memref<8x256xf32, #tpu.memory_space<vmem>>, vector<1x16xf32>,
        %swap3A_173 = vector.shape_cast %swap3A_172 : vector<1x16xf32> to vector<16xf32>
        %swap3A_174 = vector.shape_cast %scan3A_104#13 : vector<16xf32> to vector<1x16xf32>
        tpu.vector_store %arg7[%swap3A_170, %swap3A_171], %swap3A_174 {strides = array<i32>} : memref<8x256xf32, #tpu.memory_space<vmem>>, vector<1x16xf32>,
        %swap3A_175 = arith.index_cast %add3A_34 : i32 to index
        %swap3A_176 = arith.constant 224 : index
        %swap3A_177 = tpu.vector_load %arg7[%swap3A_175, %swap3A_176] {strides = array<i32>} : memref<8x256xf32, #tpu.memory_space<vmem>>, vector<1x16xf32>,
        %swap3A_178 = vector.shape_cast %swap3A_177 : vector<1x16xf32> to vector<16xf32>
        %swap3A_179 = vector.shape_cast %scan3A_104#14 : vector<16xf32> to vector<1x16xf32>
        tpu.vector_store %arg7[%swap3A_175, %swap3A_176], %swap3A_179 {strides = array<i32>} : memref<8x256xf32, #tpu.memory_space<vmem>>, vector<1x16xf32>,
        %swap3A_180 = arith.index_cast %add3A_34 : i32 to index
        %swap3A_181 = arith.constant 240 : index
        %swap3A_182 = tpu.vector_load %arg7[%swap3A_180, %swap3A_181] {strides = array<i32>} : memref<8x256xf32, #tpu.memory_space<vmem>>, vector<1x16xf32>,
        %swap3A_183 = vector.shape_cast %swap3A_182 : vector<1x16xf32> to vector<16xf32>
        %swap3A_184 = vector.shape_cast %scan3A_104#15 : vector<16xf32> to vector<1x16xf32>
        tpu.vector_store %arg7[%swap3A_180, %swap3A_181], %swap3A_184 {strides = array<i32>} : memref<8x256xf32, #tpu.memory_space<vmem>>, vector<1x16xf32>,
      }
      %scan3A_26 = arith.constant 8 : i32
      %mul3A_27 = arith.constant 8 : i32
      %mul3A_28 = arith.muli %add3A_13, %mul3A_27 : i32
      %add3A_29 = arith.addi %mul3A_2, %mul3A_28 : i32
      "tpu.region"() ({
        %run_scoped3A = tpu.sem_alloc : memref<!tpu.dma_semaphore, #tpu.memory_space<semaphore_mem>>
        %dma_start3A_30 = arith.constant 0 : i32
        %dma_start3A_31 = tpu.memref_slice %arg4[%add3A_29, %dma_start3A_30] : memref<16384x256xf32, #tpu.memory_space<hbm>> -> memref<8x256xf32, #tpu.memory_space<hbm>>
        %dma_start3A_32 = arith.constant 0 : i32
        %dma_start3A_33 = tpu.memref_slice %arg4[%add3A_29, %dma_start3A_32] : memref<16384x256xf32, #tpu.memory_space<hbm>> -> memref<8x256xf32, #tpu.memory_space<hbm>>
        tpu.enqueue_dma source(%arg7 : memref<8x256xf32, #tpu.memory_space<vmem>>) target(%dma_start3A_33 : memref<8x256xf32, #tpu.memory_space<hbm>>) target_semaphore(%run_scoped3A : memref<!tpu.dma_semaphore, #tpu.memory_space<semaphore_mem>>)
        %dma_wait3A_34 = arith.constant 0 : i32
        %dma_wait3A_35 = tpu.memref_slice %arg4[%add3A_29, %dma_wait3A_34] : memref<16384x256xf32, #tpu.memory_space<hbm>> -> memref<8x256xf32, #tpu.memory_space<hbm>>
        %dma_wait3A_36 = arith.constant 0 : i32
        %dma_wait3A_37 = tpu.memref_slice %arg4[%add3A_29, %dma_wait3A_36] : memref<16384x256xf32, #tpu.memory_space<hbm>> -> memref<8x256xf32, #tpu.memory_space<hbm>>
        tpu.wait_dma2 semaphore(%run_scoped3A : memref<!tpu.dma_semaphore, #tpu.memory_space<semaphore_mem>>) src(%arg7 : memref<8x256xf32, #tpu.memory_space<vmem>>) dst(%dma_wait3A_37 : memref<8x256xf32, #tpu.memory_space<hbm>>)
        tpu.yield
      }) : () -> ()
    }
    %scan3A_8 = arith.constant 64 : i32
    return
  }
}

module attributes {stable_mosaic.version = 14 : i64} {
  func.func @body(%arg0: i32, %arg1: memref<128x256xf32, #tpu.memory_space<vmem>>, %arg2: memref<16384x256xf32, #tpu.memory_space<vmem>>, %arg3: memref<128x16384xf32, #tpu.memory_space<vmem>>) attributes {dimension_semantics = [#tpu.dimension_semantics<arbitrary>], iteration_bounds = array<i64: 8>, scalar_prefetch = 0 : i64, scratch_operands = 0 : i64, tpu.core_type = #tpu.core_type<tc>, window_params = [{transform_indices = @transform_0, window_bounds = array<i64: 128, 256>}, {pipeline_mode = #tpu.pipeline_mode<synchronous>, transform_indices = @transform_1, window_bounds = array<i64: 16384, 256>}, {transform_indices = @transform_2, window_bounds = array<i64: 128, 16384>}]} {
    %get3A = arith.constant 0 : index
    %get3A_0 = arith.constant 0 : index
    %get3A_1 = vector.load %arg1[%get3A, %get3A_0] : memref<128x256xf32, #tpu.memory_space<vmem>>, vector<128x256xf32>
    %get3A_2 = arith.constant 0 : index
    %get3A_3 = arith.constant 0 : index
    %get3A_4 = vector.load %arg2[%get3A_2, %get3A_3] : memref<16384x256xf32, #tpu.memory_space<vmem>>, vector<16384x256xf32>
    %dot_general3A = arith.constant dense<0.000000e+00> : vector<128x16384xf32>
    %dot_general3A_5 = tpu.matmul %get3A_1, %get3A_4, %dot_general3A {dimension_numbers = #tpu.dot_dimension_numbers<[1], [1], [0], [0], [0, 0, 1, 0], [], []>, transpose_lhs_hint = false} : vector<128x256xf32>, vector<16384x256xf32>, vector<128x16384xf32> -> vector<128x16384xf32>
    %reduce_max3A = arith.constant dense<0xFF800000> : vector<128xf32>
    %reduce_max3A_6 = vector.multi_reduction <maximumf>, %dot_general3A_5, %reduce_max3A [1] : vector<128x16384xf32> to vector<128xf32>
    %broadcast_in_dim3A = vector.shape_cast %reduce_max3A_6 : vector<128xf32> to vector<128x1xf32>
    %sub3A = vector.broadcast %broadcast_in_dim3A : vector<128x1xf32> to vector<128x16384xf32>
    %sub3A_7 = arith.subf %dot_general3A_5, %sub3A : vector<128x16384xf32>
    %exp3A = math.exp %sub3A_7 : vector<128x16384xf32>
    %reduce_sum3A = arith.constant dense<0.000000e+00> : vector<128xf32>
    %reduce_sum3A_8 = vector.multi_reduction <add>, %exp3A, %reduce_sum3A [1] : vector<128x16384xf32> to vector<128xf32>
    %broadcast_in_dim3A_9 = vector.shape_cast %reduce_sum3A_8 : vector<128xf32> to vector<128x1xf32>
    %div3A = vector.broadcast %broadcast_in_dim3A_9 : vector<128x1xf32> to vector<128x16384xf32>
    %div3A_10 = arith.divf %exp3A, %div3A : vector<128x16384xf32>
    %swap3A = arith.constant 0 : index
    %swap3A_11 = arith.constant 0 : index
    %swap3A_12 = vector.load %arg3[%swap3A, %swap3A_11] : memref<128x16384xf32, #tpu.memory_space<vmem>>, vector<128x16384xf32>
    tpu.vector_store %arg3[%swap3A, %swap3A_11], %div3A_10 {strides = array<i32>} : memref<128x16384xf32, #tpu.memory_space<vmem>>, vector<128x16384xf32>,
    return
  }
  func.func @transform_0(%arg0: i32) -> (i32, i32) {
    %c0_i32 = arith.constant 0 : i32
    %c0_i32_0 = arith.constant 0 : i32
    return %arg0, %c0_i32 : i32, i32
  }
  func.func @transform_1(%arg0: i32) -> (i32, i32) {
    %c0_i32 = arith.constant 0 : i32
    %c0_i32_0 = arith.constant 0 : i32
    %c0_i32_1 = arith.constant 0 : i32
    return %c0_i32, %c0_i32_0 : i32, i32
  }
  func.func @transform_2(%arg0: i32) -> (i32, i32) {
    %c0_i32 = arith.constant 0 : i32
    %c0_i32_0 = arith.constant 0 : i32
    return %arg0, %c0_i32 : i32, i32
  }
}

</mosaic_0001>

<sc_bundles>
// kernel: kernel.4.cloned.1.call-start
scs
__scs_entry_jumppad:
0x0: {  	(pc) =	sbr.rel $0x88, $3  }
0x1: {  	(tag) =	ssettag $0x0;
	lr =	simm.s32 $0x1  }
0x2: {  	[smem:$0x3F9E] =	sst lr;
	_ =	strace $0xD0000000  }
0x3: {  	_ = 	snop  }
0x4: {  	_ = 	snop  }
0x5: {  	_ = 	snop  }
0x6: {  	_ = 	snop  }
0x7: {  	_ = 	snop  }
__scs_overlays_trampoline_lowered:
0x8: {  	[smem:$0x3FAD] =	sst s0  }
0x9: {  	[smem:$0x3FAE] =	sst s1  }
0xa: {  	[smem:$0x3FAF] =	sst s2  }
0xb: {  	[smem:$0x3FB0] =	sst s3  }
0xc: {  	[smem:$0x3FB1] =	sst s4  }
0xd: {  	[smem:$0x3FB2] =	sst s5  }
0xe: {  	[smem:$0x3FB3] =	sst s6  }
0xf: {  	[smem:$0x3FB4] =	sst s7  }
0x10: {  	[smem:$0x3FB5] =	sst s8  }
0x11: {  	[smem:$0x3FB6] =	sst s9;
	s0 =	simm.s32 @!p0 $0x0  }
0x12: {  	s1 =	sld [smem:$0x3F9C];
	s0 =	simm.s32 @p0 $0x1  }
0x13: {  	[smem:$0x3FB7] =	sst s0;
	s0 =	simm.s32 @!p1 $0x0  }
0x14: {  	s2 =	sld [smem:$0x3F9B];
	s0 =	simm.s32 @p1 $0x1  }
0x15: {  	[smem:$0x3FB8] =	sst s0;
	s0 =	simm.s32 @!p2 $0x0  }
0x16: {  	s3 =	sld [smem:$0x3FDB];
	s0 =	simm.s32 @p2 $0x1  }
0x17: {  	s4 =	simm.s32 $0x1BF5;
	[smem:$0x3FBA] =	sst s0  }
0x18: {  	s0 =	sld [smem:$0x3F9D];
	_ =	swait.ge [sflag:s4], $0x0  }
0x19: {  	s7 =	sld [smem:$0x3F9E]  }
0x1a: {  	s8 =	sadd.s32 $0xFFFFE003, lr  }
0x1b: {  	s9 =	sadd.s32 $0xFFFFFEF7, lr;
	s5 =	simm.s32 $0xFFFFFFFF;
	p2 =	slt.u32 s8, $0xFFFFF086  }
0x1c: {  	p1 =	slt.u32 s9, $0xF7A;
	s5 =	simm.s32 @!p2 $0x0  }
0x1d: {  	s5 =	simm.s32 @p1 $0x1;
	p0 =	seq.s32 s7, s2  }
0x1e: {  	s7 =	smul.u32 @!p0 $0xF7A, s2;
	p2 =	seq.s32 @!p0 s5, $0x0  }
0x1f: {  	s9 =	smul.u32 $0xF7A, s1;
	s8 =	simm.s32 @!p0 $0x1BF5;
	p2 =	por !p2, p0  }
0x20: {  	[sflag:s8] =	ssyncset.s32 @!p0 $0xFFFFF086;
	s6 =	sadd.s32 @!p0 s3, s7;
	s7 =	simm.s32 @!p0 $0x108  }
0x21: {  	s3 =	sadd.s32 s3, s9;
	s6 =	sadd.s32 @!p0 $0x88, s6;
	s7 =	simm.s32 @p2 $0x1082  }
0x22: {  	[simem:s7], [sflag:s8] =	dma.local @!p0 [hbm:s6], $0xF7A  }
0x23: {  	s9 =	sor.u32 $0xD0000000, s2;
	s6 =	simm.s32 $0x108;
	_ =	swait.ge @!p0 [sflag:s8], $0x0  }
0x24: {  	s3 =	sadd.s32 $0x88, s3;
	s6 =	simm.s32 @!p1 $0x1082;
	[sflag:s4] =	ssyncset.s32 $0xFFFFF086  }
0x25: {  	[simem:s6], [sflag:s4] =	dma.local [hbm:s3], $0xF7A  }
0x26: {  	[smem:$0x3F9E] =	sst s1;
	(tag) =	ssettag s2;
	_ =	strace s9  }
0x27: {  	s1 =	sld [smem:$0x3FAE]  }
0x28: {  	s2 =	sld [smem:$0x3FAF]  }
0x29: {  	s4 =	sld [smem:$0x3FB1]  }
0x2a: {  	p0 =	seq.s32 s5, $0x0;
	s5 =	sld [smem:$0x3FB2]  }
0x2b: {  	s6 =	sld [smem:$0x3FB3]  }
0x2c: {  	s7 =	sld [smem:$0x3FB4]  }
0x2d: {  	s3 =	simm.s32 $0x108;
	s8 =	sld [smem:$0x3FB5]  }
0x2e: {  	s3 =	simm.s32 @!p0 $0x1082;
	s9 =	sld [smem:$0x3FB6]  }
0x2f: {  	lr =	sadd.s32 s0, s3;
	s0 =	sld [smem:$0x3FAD]  }
0x30: {  	s3 =	sld [smem:$0x3FB0]  }
0x31: {  	[smem:$0x3FB9] =	sst s10  }
0x32: {  	s10 =	sld [smem:$0x3FB7];
	_ =	sdelay $0x3  }
0x33: {  	p0 =	seq.s32 s10, $0x1;
	s10 =	sld [smem:$0x3FB9];
	_ =	sdelay $0x3  }
0x34: {  	[smem:$0x3FB9] =	sst s10  }
0x35: {  	s10 =	sld [smem:$0x3FB8];
	_ =	sdelay $0x3  }
0x36: {  	p1 =	seq.s32 s10, $0x1;
	s10 =	sld [smem:$0x3FB9];
	_ =	sdelay $0x3  }
0x37: {  	[smem:$0x3FB9] =	sst s10  }
0x38: {  	s10 =	sld [smem:$0x3FBA]  }
0x39: {  	_ = 	snop;
	(pc) =	sbr.ind lr, $3  }
0x3a: {  	_ = 	snop  }
0x3b: {  	_ = 	snop  }
0x3c: {  	p2 =	seq.s32 s10, $0x1;
	s10 =	sld [smem:$0x3FB9]  }
0x3d: {  	_ =	shalt  }
0x3e: {  	_ =	shalt  }
0x3f: {  	_ =	shalt  }
0x40: {  	_ =	shalt  }
0x41: {  	_ =	shalt  }
0x42: {  	_ =	shalt  }
0x43: {  	_ =	shalt  }
0x44: {  	_ =	shalt  }
0x45: {  	_ =	shalt  }
0x46: {  	_ =	shalt  }
0x47: {  	_ =	shalt  }
0x48: {  	_ =	shalt  }
0x49: {  	_ =	shalt  }
0x4a: {  	_ =	shalt  }
0x4b: {  	_ =	shalt  }
0x4c: {  	_ =	shalt  }
0x4d: {  	_ =	shalt  }
0x4e: {  	_ =	shalt  }
0x4f: {  	_ =	shalt  }
0x50: {  	_ =	shalt  }
0x51: {  	_ =	shalt  }
0x52: {  	_ =	shalt  }
0x53: {  	_ =	shalt  }
0x54: {  	_ =	shalt  }
0x55: {  	_ =	shalt  }
0x56: {  	_ =	shalt  }
0x57: {  	_ =	shalt  }
0x58: {  	_ =	shalt  }
0x59: {  	_ =	shalt  }
0x5a: {  	_ =	shalt  }
0x5b: {  	_ =	shalt  }
0x5c: {  	_ =	shalt  }
0x5d: {  	_ =	shalt  }
0x5e: {  	_ =	shalt  }
0x5f: {  	_ =	shalt  }
0x60: {  	_ =	shalt  }
0x61: {  	_ =	shalt  }
0x62: {  	_ =	shalt  }
0x63: {  	_ =	shalt  }
0x64: {  	_ =	shalt  }
0x65: {  	_ =	shalt  }
0x66: {  	_ =	shalt  }
0x67: {  	_ =	shalt  }
0x68: {  	_ =	shalt  }
0x69: {  	_ =	shalt  }
0x6a: {  	_ =	shalt  }
0x6b: {  	_ =	shalt  }
0x6c: {  	_ =	shalt  }
0x6d: {  	_ =	shalt  }
0x6e: {  	_ =	shalt  }
0x6f: {  	_ =	shalt  }
0x70: {  	_ =	shalt  }
0x71: {  	_ =	shalt  }
0x72: {  	_ =	shalt  }
0x73: {  	_ =	shalt  }
0x74: {  	_ =	shalt  }
0x75: {  	_ =	shalt  }
0x76: {  	_ =	shalt  }
0x77: {  	_ =	shalt  }
0x78: {  	_ =	shalt  }
0x79: {  	_ =	shalt  }
0x7a: {  	_ =	shalt  }
0x7b: {  	_ =	shalt  }
0x7c: {  	_ =	shalt  }
0x7d: {  	_ =	shalt  }
0x7e: {  	_ =	shalt  }
0x7f: {  	_ =	shalt  }
0x80: {  	_ =	shalt  }
0x81: {  	_ =	shalt  }
0x82: {  	_ =	shalt  }
0x83: {  	_ =	shalt  }
0x84: {  	_ =	shalt  }
0x85: {  	_ =	shalt  }
0x86: {  	_ =	shalt  }
0x87: {  	_ =	shalt  }
.Lfunc_end0:
.L_simem_size_0:
called_computation_lowered:
.L_overlay_start_0:
0x88: {  	s2 =	sld [smem:$0x3FD9]  }
0x89: {  	s3 =	sld [smem:$0x3FFE];
	_ =	sdelay $0x1  }
0x8a: {  	s1 =	srdreg.scid  }
0x8b: {  	s0 =	sand.u32 $0x1, s1  }
0x8c: {  	s17 =	sshll.u32 s0, $0xA;
	s2 =	sadd.s32 s3, s2  }
0x8d: {  	s2 =	sadd.s32 s2, s17  }
0x8e: {  	[smem:$0x3FC5] =	sst s2  }
0x8f: {  	_ = 	snop  }
0x90: {  	s2 =	sld [smem:$0x3FD0];
	(tm) =	ssettm $0x1  }
0x91: {  	s18 =	sld [smem:$0x3FFB];
	_ =	sdelay $0x3  }
0x92: {  	_ =	strace s18  }
0x93: {  	s3 =	sld [smem:$0x3FFC];
	_ =	sdelay $0x3  }
0x94: {  	_ =	strace s3  }
0x95: {  	s3 =	sld [smem:$0x3FFD];
	_ =	sdelay $0x3  }
0x96: {  	_ =	strace s3  }
0x97: {  	_ =	strace $0x8FFFFFFF  }
0x98: {  	s19 =	sld [smem:$0x3FDB];
	_ =	sdelay $0x1  }
0x99: {  	s4 =	simm.s32 $_scs_section_size  }
0x9a: {  	s5 =	simm.s32 $_size__tile_overlayer_lowered;
	s6 =	simm.s32 $_tile_overlayer_lowered  }
0x9b: {  	s22 =	simm.s32 $0x1BFF;
	s21 =	sshll.u32 s6, $0x1;
	s3 =	sadd.s32 s4, s19  }
0x9c: {  	s7 =	simm.s32 $0x0;
	s20 =	sshll.u32 s5, $0x1;
	s5 =	sadd.s32 s21, s3  }
0x9d: {  	[timem:s7], [sflag:s22] =	dma.local [hbm:s5], s20  }
0x9e: {  	_ =	swait.ge [sflag:s22], s20  }
0x9f: {  	s4 =	ssub.s32 $0x0, s20;
	[sflag:s22] =	ssyncset.done $0x0  }
0xa0: {  	[sflag:s22] =	ssyncadd.s32 s4;
	_ =	sdelay $0x1  }
0xa1: {  	s23 =	simm.s32 $0x1B8B  }
0xa2: {  	_ =	swait.ge [sflag:s23], $0x1  }
0xa3: {  	[sflag:s23] =	ssyncset.done $0x0  }
0xa4: {  	s25 =	simm.s32 $0x1B8E;
	s24 =	sld [smem:$0x3FFE];
	[sflag:s23] =	ssyncadd.s32 $0xFFFFFFFF  }
0xa5: {  	s26 =	simm.s32 $execute0_lowered;
	[smem:$0x3FD2] =	sst s25  }
0xa6: {  	s5 =	sshll.u32 s26, $0x1;
	_ =	strace $0x80000046;
	[dreg:$0x1] =	wrdreg $0xFFFFFFFF  }
0xa7: {  	s28 =	simm.s32 $_size_execute0_lowered;
	s3 =	sadd.s32 s3, s5;
	[dreg:$0x0] =	wrdreg $0x0  }
0xa8: {  	s5 =	sshll.u32 s28, $0x1;
	[dreg:$0x2] =	wrdreg s3  }
0xa9: {  	[dreg:$0x3] =	wrdreg s5  }
0xaa: {  	[dreg:$0x4] =	wrdreg $0xC0  }
0xab: {  	_ =	task [dreg:s7], $0x5FFFF  }
0xac: {  	[dreg:$0x1] =	wrdreg $0xFFFFFFFF  }
0xad: {  	[dreg:$0x0] =	wrdreg $0x60  }
0xae: {  	[dreg:$0x2] =	wrdreg s24  }
0xaf: {  	[dreg:$0x3] =	wrdreg s2  }
0xb0: {  	[dreg:$0x4] =	wrdreg $0x9  }
0xb1: {  	_ =	task.clear_ibuf [dreg:s7], $0x5FFFF;
	_ =	strace $0x90000046  }
0xb2: {  	s29 =	simm.s32 $0x9;
	_ =	strace $0x80000048  }
0xb3: {  	_ =	swait.ge [sflag:s29], $0x1  }
0xb4: {  	[sflag:s29] =	ssyncadd.s32 $0xFFFFFFFF  }
0xb5: {  	_ =	strace $0x90000048  }
0xb6: {  	_ =	sfence  }
0xb7: {  	s30 =	sld [smem:$0x0];
	_ =	sdelay $0x2  }
0xb8: {  	s31 =	sshll.u32 s1, $0xD;
	s1 =	sshrl.u32 s1, $0x2  }
0xb9: {  	s3 =	sand.u32 $0x4000, s31;
	s1 =	sadd.s32 s1, s30  }
0xba: {  	s0 =	sor.u32 s3, s0;
	s1 =	sshll.u32 s1, $0x11  }
0xbb: {  	s0 =	sor.u32 s1, s0  }
0xbc: {  	s0 =	sadd.s32 $0x8F2B, s0  }
0xbd: {  	[sflag:s0] =	ssyncadd.remote.s32 $0x1  }
0xbe: {  	_ =	sfence.sel $0xFFFF  }
0xbf: {  	[dreg:$0x0] =	wrdreg $0xFFFFFFFF;
	(pc) =	sbr.abs _section_cstart, $3  }
0xc0: {  	[dreg:$0x1] =	wrdreg $0xFFFFFFFF  }
0xc1: {  	_ =	task.clear_ibuf [dreg:s7], $0x2FFFF;
	_ =	strace $0x9FFFFFFF  }
0xc2: {  	(tm) =	ssettm $0x7FFFFFFF  }
0xc3: {  	_ =	shalt  }
tec
execute0_lowered:
.L_overlay_start_1:
0x0: {  	(tag) =	ssettag $0x1  }
0x1: {  	s0 =	rddreg [dreg:$0x0]  }
0x2: {  	s1 =	rddreg [dreg:$0x1]  }
0x3: {  	s2 =	simm.s32 $0x0;
	s3 =	srdreg.scid;
	s5 =	stileid.u32  }
0x4: {  	s7 =	simm.s32 $0x2;
	s8 =	simm.s32 $0x2000;
	s9 =	simm.s32 $0x2800  }
0x5: {  	s10 =	simm.s32 $0x3000;
	s11 =	simm.s32 $0x3800;
	s12 =	simm.s32 $0x4000  }
0x6: {  	s13 =	simm.s32 $0x4800;
	s14 =	simm.s32 $0x5000;
	s15 =	simm.s32 $0x5800  }
0x7: {  	s16 =	simm.s32 $0x6000;
	s17 =	simm.s32 $0x6800;
	s18 =	simm.s32 $0x7000  }
0x8: {  	s19 =	simm.s32 $0x7800;
	s20 =	simm.s32 $0x8000;
	s21 =	simm.s32 $0x8800  }
0x9: {  	s22 =	simm.s32 $0x9000;
	s23 =	simm.s32 $0x9800;
	s24 =	simm.s32 $0x1  }
0xa: {  	s25 =	simm.s32 $0xA000;
	s4 =	sand.u32 $0x1, s3;
	s30 =	sshll.u32 s5, $0x1  }
0xb: {  	s26 =	simm.s32 $0x0;
	[smem:$0x7FF] =	sst s2;
	s5 =	sor.u32 s4, s30  }
0xc: {  	s3 =	sadd.s32 $0x315E00, s0;
	s4 =	ssub.s32 $0x2, s4;
	s6 =	sshll.u32 s5, $0xA  }
0xd: {  	v2 =	vlaneseq.u32;
	_ =	strace $0x80000047;
	s31 =	sshrl.u32 s4, $0x1;
	s0 =	sadd.s32 s6, s0  }
0xe: {  	vm0 =	vmmov $0xffff;
	v1 =	vshrl.u32 v2, $0x3;
	s5 =	sshll.u32 s5, $0xE;
	s4 =	ssub.s32 s4, s31;
	s0 =	sadd.s32 $0x30DE00, s0  }
0xf: {  	v0 =	vand.u32 $0x7, v2;
	v2 =	vor.u32 $0x8, v2;
	v1 =	vmul.u32 $0x8, v1;
	s5 =	sadd.s32 s1, s5;
	s6 =	smax.u32 s4, $0x1;
	[dreg:$0x3] =	wrdreg s0  }
.LBB2_1:
0x10: {  	s0 =	rddreg [dreg:$0x3]  }
0x11: {  	[tilespmem:s2], [sflag:$0x2] =	stream.linear.gather [hbm4b:s0+s2], $0x2000, $0x38;
	[tilespmem:$0xA800] =	vst v63  }
0x12: {  	_ =	swait.ge [sflag:s7], $0x2000  }
0x13: {  	[sflag:s7] =	ssyncset.done $0x0  }
0x14: {  	s28 =	simm.s32 $0x0;
	[sflag:s7] =	ssyncadd.s32 $0xFFFFE000  }
.LBB2_2:
0x15: {  	s0 =	sshll.u32 s28, $0x7  }
0x16: {  	s30 =	sand.u32 $0x3FFFFF80, s0  }
0x17: {  	v3 =	vld [tilespmem:s30+$0x0];
	_ =	sdelay $0x4  }
0x18: {  	v4 =	vshll.u32 v3, $0x1  }
0x19: {  	v3 =	vand.u32 $0x7, v3;
	v4 =	vand.u32 $0xFFFFFFF0, v4  }
0x1a: {  	v3 =	vor.u32 v3, v4  }
0x1b: {  	v4 =	vperm.xlane v3, v0;
	_ =	sdelay $0x1  }
0x1c: {  	v3 =	vperm.xlane v3, v2;
	v4 =	vadd.s32 v1, v4;
	_ =	sdelay $0x1  }
0x1d: {  	v3 =	vadd.s32 v1, v3;
	_ =	sdelay $0x1  }
0x1e: {  	s29 =	simm.s32 $0x0  }
0x1f: {  	[tilespmem:s8], [sflag:$0x1] =	stream.indirect_vreg.gather [hbm4b:s3+s29], $0x80, v4, vm0, $0xb8;
	[tilespmem:$0xA800] =	vst v63  }
0x20: {  	_ = 	snop  }
0x21: {  	[tilespmem:s9], [sflag:$0x1] =	stream.indirect_vreg.gather [hbm4b:s3+s29], $0x80, v3, vm0, $0xb8;
	[tilespmem:$0xA800] =	vst v63  }
0x22: {  	v3 =	vld [tilespmem:s30+$0x10];
	_ =	sdelay $0x4  }
0x23: {  	v57 =	vshll.u32 v3, $0x1  }
0x24: {  	v3 =	vand.u32 $0x7, v3;
	v4 =	vand.u32 $0xFFFFFFF0, v57  }
0x25: {  	v3 =	vor.u32 v3, v4  }
0x26: {  	v4 =	vperm.xlane v3, v0;
	_ =	sdelay $0x1  }
0x27: {  	v3 =	vperm.xlane v3, v2;
	v4 =	vadd.s32 v1, v4;
	_ =	sdelay $0x1  }
0x28: {  	v3 =	vadd.s32 v1, v3;
	_ =	sdelay $0x2  }
0x29: {  	[tilespmem:s10], [sflag:$0x1] =	stream.indirect_vreg.gather [hbm4b:s3+s29], $0x80, v4, vm0, $0xb8;
	[tilespmem:$0xA800] =	vst v63  }
0x2a: {  	_ = 	snop  }
0x2b: {  	[tilespmem:s11], [sflag:$0x1] =	stream.indirect_vreg.gather [hbm4b:s3+s29], $0x80, v3, vm0, $0xb8;
	[tilespmem:$0xA800] =	vst v63  }
0x2c: {  	v3 =	vld [tilespmem:s30+$0x20];
	_ =	sdelay $0x4  }
0x2d: {  	v58 =	vshll.u32 v3, $0x1  }
0x2e: {  	v3 =	vand.u32 $0x7, v3;
	v4 =	vand.u32 $0xFFFFFFF0, v58  }
0x2f: {  	v3 =	vor.u32 v3, v4  }
0x30: {  	v4 =	vperm.xlane v3, v0;
	_ =	sdelay $0x1  }
0x31: {  	v3 =	vperm.xlane v3, v2;
	v4 =	vadd.s32 v1, v4;
	_ =	sdelay $0x1  }
0x32: {  	v3 =	vadd.s32 v1, v3;
	_ =	sdelay $0x2  }
0x33: {  	[tilespmem:s12], [sflag:$0x1] =	stream.indirect_vreg.gather [hbm4b:s3+s29], $0x80, v4, vm0, $0xb8;
	[tilespmem:$0xA800] =	vst v63  }
0x34: {  	_ = 	snop  }
0x35: {  	[tilespmem:s13], [sflag:$0x1] =	stream.indirect_vreg.gather [hbm4b:s3+s29], $0x80, v3, vm0, $0xb8;
	[tilespmem:$0xA800] =	vst v63  }
0x36: {  	v3 =	vld [tilespmem:s30+$0x30];
	_ =	sdelay $0x4  }
0x37: {  	v59 =	vshll.u32 v3, $0x1  }
0x38: {  	v3 =	vand.u32 $0x7, v3;
	v4 =	vand.u32 $0xFFFFFFF0, v59  }
0x39: {  	v3 =	vor.u32 v3, v4  }
0x3a: {  	v4 =	vperm.xlane v3, v0;
	_ =	sdelay $0x1  }
0x3b: {  	v3 =	vperm.xlane v3, v2;
	v4 =	vadd.s32 v1, v4;
	_ =	sdelay $0x1  }
0x3c: {  	v3 =	vadd.s32 v1, v3;
	_ =	sdelay $0x2  }
0x3d: {  	[tilespmem:s14], [sflag:$0x1] =	stream.indirect_vreg.gather [hbm4b:s3+s29], $0x80, v4, vm0, $0xb8;
	[tilespmem:$0xA800] =	vst v63  }
0x3e: {  	_ = 	snop  }
0x3f: {  	[tilespmem:s15], [sflag:$0x1] =	stream.indirect_vreg.gather [hbm4b:s3+s29], $0x80, v3, vm0, $0xb8;
	[tilespmem:$0xA800] =	vst v63  }
0x40: {  	v3 =	vld [tilespmem:s30+$0x40];
	_ =	sdelay $0x4  }
0x41: {  	v60 =	vshll.u32 v3, $0x1  }
0x42: {  	v3 =	vand.u32 $0x7, v3;
	v4 =	vand.u32 $0xFFFFFFF0, v60  }
0x43: {  	v3 =	vor.u32 v3, v4  }
0x44: {  	v4 =	vperm.xlane v3, v0;
	_ =	sdelay $0x1  }
0x45: {  	v3 =	vperm.xlane v3, v2;
	v4 =	vadd.s32 v1, v4;
	_ =	sdelay $0x1  }
0x46: {  	v3 =	vadd.s32 v1, v3;
	_ =	sdelay $0x2  }
0x47: {  	[tilespmem:s16], [sflag:$0x1] =	stream.indirect_vreg.gather [hbm4b:s3+s29], $0x80, v4, vm0, $0xb8;
	[tilespmem:$0xA800] =	vst v63  }
0x48: {  	_ = 	snop  }
0x49: {  	[tilespmem:s17], [sflag:$0x1] =	stream.indirect_vreg.gather [hbm4b:s3+s29], $0x80, v3, vm0, $0xb8;
	[tilespmem:$0xA800] =	vst v63  }
0x4a: {  	v3 =	vld [tilespmem:s30+$0x50];
	_ =	sdelay $0x4  }
0x4b: {  	v61 =	vshll.u32 v3, $0x1  }
0x4c: {  	v3 =	vand.u32 $0x7, v3;
	v4 =	vand.u32 $0xFFFFFFF0, v61  }
0x4d: {  	v3 =	vor.u32 v3, v4  }
0x4e: {  	v4 =	vperm.xlane v3, v0;
	_ =	sdelay $0x1  }
0x4f: {  	v3 =	vperm.xlane v3, v2;
	v4 =	vadd.s32 v1, v4;
	_ =	sdelay $0x1  }
0x50: {  	v3 =	vadd.s32 v1, v3;
	_ =	sdelay $0x2  }
0x51: {  	[tilespmem:s18], [sflag:$0x1] =	stream.indirect_vreg.gather [hbm4b:s3+s29], $0x80, v4, vm0, $0xb8;
	[tilespmem:$0xA800] =	vst v63  }
0x52: {  	_ = 	snop  }
0x53: {  	[tilespmem:s19], [sflag:$0x1] =	stream.indirect_vreg.gather [hbm4b:s3+s29], $0x80, v3, vm0, $0xb8;
	[tilespmem:$0xA800] =	vst v63  }
0x54: {  	v3 =	vld [tilespmem:s30+$0x60];
	_ =	sdelay $0x4  }
0x55: {  	v62 =	vshll.u32 v3, $0x1  }
0x56: {  	v3 =	vand.u32 $0x7, v3;
	v4 =	vand.u32 $0xFFFFFFF0, v62  }
0x57: {  	v3 =	vor.u32 v3, v4  }
0x58: {  	v4 =	vperm.xlane v3, v0;
	_ =	sdelay $0x1  }
0x59: {  	v3 =	vperm.xlane v3, v2;
	v4 =	vadd.s32 v1, v4;
	_ =	sdelay $0x1  }
0x5a: {  	v3 =	vadd.s32 v1, v3;
	_ =	sdelay $0x2  }
0x5b: {  	[tilespmem:s20], [sflag:$0x1] =	stream.indirect_vreg.gather [hbm4b:s3+s29], $0x80, v4, vm0, $0xb8;
	[tilespmem:$0xA800] =	vst v63  }
0x5c: {  	_ = 	snop  }
0x5d: {  	[tilespmem:s21], [sflag:$0x1] =	stream.indirect_vreg.gather [hbm4b:s3+s29], $0x80, v3, vm0, $0xb8;
	[tilespmem:$0xA800] =	vst v63  }
0x5e: {  	v3 =	vld [tilespmem:s30+$0x70];
	_ =	sdelay $0x4  }
0x5f: {  	v63 =	vshll.u32 v3, $0x1  }
0x60: {  	v3 =	vand.u32 $0x7, v3;
	v4 =	vand.u32 $0xFFFFFFF0, v63  }
0x61: {  	v3 =	vor.u32 v3, v4  }
0x62: {  	v4 =	vperm.xlane v3, v0;
	_ =	sdelay $0x1  }
0x63: {  	v3 =	vperm.xlane v3, v2;
	v4 =	vadd.s32 v1, v4;
	_ =	sdelay $0x1  }
0x64: {  	v3 =	vadd.s32 v1, v3;
	_ =	sdelay $0x2  }
0x65: {  	[tilespmem:s22], [sflag:$0x1] =	stream.indirect_vreg.gather [hbm4b:s3+s29], $0x80, v4, vm0, $0xb8;
	[tilespmem:$0xA800] =	vst v63  }
0x66: {  	_ = 	snop  }
0x67: {  	[tilespmem:s23], [sflag:$0x1] =	stream.indirect_vreg.gather [hbm4b:s3+s29], $0x80, v3, vm0, $0xb8;
	[tilespmem:$0xA800] =	vst v63  }
0x68: {  	_ =	swait.ge [sflag:s24], $0x8000  }
0x69: {  	[sflag:s24] =	ssyncset.done $0x0  }
0x6a: {  	[sflag:s24] =	ssyncadd.s32 $0xFFFF8000  }
.LBB2_3:
0x6b: {  	s0 =	sshll.u32 s29, $0xC  }
0x6c: {  	v12 =	vld [tilespmem:s0+$0x2000]  }
0x6d: {  	v13 =	vld [tilespmem:s0+$0x2010]  }
0x6e: {  	v14 =	vld [tilespmem:s0+$0x2020]  }
0x6f: {  	v15 =	vld [tilespmem:s0+$0x2030]  }
0x70: {  	v17 =	vld [tilespmem:s0+$0x2040]  }
0x71: {  	v23 =	vld [tilespmem:s0+$0x2050]  }
0x72: {  	v25 =	vld [tilespmem:s0+$0x2060]  }
0x73: {  	v26 =	vld [tilespmem:s0+$0x2070]  }
0x74: {  	v10 =	vld [tilespmem:s0+$0x2400]  }
0x75: {  	v8 =	vld [tilespmem:s0+$0x2410]  }
0x76: {  	v7 =	vld [tilespmem:s0+$0x2420]  }
0x77: {  	v6 =	vld [tilespmem:s0+$0x2430];
	v11 =	vmov s0  }
0x78: {  	v5 =	vld [tilespmem:s0+$0x2440]  }
0x79: {  	s1 =	simm.s32 $0x100;
	s4 =	simm.s32 $0x80;
	v3 =	vld [tilespmem:s0+$0x2450]  }
0x7a: {  	v4 =	vld [tilespmem:s0+$0x2460];
	s1 =	sand.u32 $0x800, s1;
	s4 =	sand.u32 $0x380, s4  }
0x7b: {  	v9 =	vld [tilespmem:s0+$0x2470];
	s30 =	sor.u32 s4, s1  }
0x7c: {  	v16 =	vld.idx.msk [tilespmem:v11+s30+$0x2470 ss:$0x1], $0xffff  }
0x7d: {  	v18 =	vld.idx.msk [tilespmem:v11+s30+$0x2000 ss:$0x1], $0xffff  }
0x7e: {  	v21 =	vld.idx.msk [tilespmem:v11+s30+$0x2010 ss:$0x1], $0xffff  }
0x7f: {  	v22 =	vld.idx.msk [tilespmem:v11+s30+$0x2020 ss:$0x1], $0xffff  }
0x80: {  	v27 =	vld.idx.msk [tilespmem:v11+s30+$0x2030 ss:$0x1], $0xffff  }
0x81: {  	v28 =	vld.idx.msk [tilespmem:v11+s30+$0x2040 ss:$0x1], $0xffff  }
0x82: {  	v29 =	vld.idx.msk [tilespmem:v11+s30+$0x2050 ss:$0x1], $0xffff  }
0x83: {  	v30 =	vld.idx.msk [tilespmem:v11+s30+$0x2060 ss:$0x1], $0xffff  }
0x84: {  	v31 =	vld.idx.msk [tilespmem:v11+s30+$0x2070 ss:$0x1], $0xffff  }
0x85: {  	v24 =	vld.idx.msk [tilespmem:v11+s30+$0x2400 ss:$0x1], $0xffff  }
0x86: {  	v20 =	vld.idx.msk [tilespmem:v11+s30+$0x2410 ss:$0x1], $0xffff;
	v9 =	vadd.f32 v16, v9  }
0x87: {  	v19 =	vadd.f32 v18, v12;
	v18 =	vadd.f32 v21, v13;
	v21 =	vld.idx.msk [tilespmem:v11+s30+$0x2420 ss:$0x1], $0xffff  }
0x88: {  	v16 =	vadd.f32 v22, v14;
	v12 =	vadd.f32 v27, v15;
	v22 =	vld.idx.msk [tilespmem:v11+s30+$0x2430 ss:$0x1], $0xffff  }
0x89: {  	s31 =	simm.s32 $0x100;
	s4 =	simm.s32 $0x200;
	v13 =	vadd.f32 v28, v17;
	v14 =	vadd.f32 v29, v23;
	v23 =	vld.idx.msk [tilespmem:v11+s30+$0x2440 ss:$0x1], $0xffff  }
0x8a: {  	s0 =	simm.s32 $0x300;
	s1 =	sand.u32 $0x800, s4;
	s4 =	sand.u32 $0x380, s31;
	v15 =	vadd.f32 v30, v25;
	v17 =	vadd.f32 v31, v26;
	v25 =	vld.idx.msk [tilespmem:v11+s30+$0x2450 ss:$0x1], $0xffff  }
.LBB2_4:
0x8b: {  	p0 =	sne.s32 s0, $0xF00;
	v10 =	vadd.f32 v24, v10;
	v24 =	vld.idx.msk [tilespmem:v11+s30+$0x2460 ss:$0x1], $0xffff;
	s30 =	sor.u32 s4, s1  }
0x8c: {  	v8 =	vadd.f32 v20, v8;
	v26 =	vld.idx.msk [tilespmem:v11+s30+$0x2470 ss:$0x1], $0xffff  }
0x8d: {  	v7 =	vadd.f32 v21, v7;
	v20 =	vld.idx.msk [tilespmem:v11+s30+$0x2000 ss:$0x1], $0xffff  }
0x8e: {  	v6 =	vadd.f32 v22, v6;
	v21 =	vld.idx.msk [tilespmem:v11+s30+$0x2010 ss:$0x1], $0xffff  }
0x8f: {  	v5 =	vadd.f32 v23, v5;
	v22 =	vld.idx.msk [tilespmem:v11+s30+$0x2020 ss:$0x1], $0xffff  }
0x90: {  	v3 =	vadd.f32 v25, v3;
	v23 =	vld.idx.msk [tilespmem:v11+s30+$0x2030 ss:$0x1], $0xffff  }
0x91: {  	v4 =	vadd.f32 v24, v4;
	v25 =	vld.idx.msk [tilespmem:v11+s30+$0x2040 ss:$0x1], $0xffff  }
0x92: {  	v9 =	vadd.f32 v26, v9;
	v27 =	vld.idx.msk [tilespmem:v11+s30+$0x2050 ss:$0x1], $0xffff  }
0x93: {  	v19 =	vadd.f32 v20, v19;
	v26 =	vld.idx.msk [tilespmem:v11+s30+$0x2060 ss:$0x1], $0xffff  }
0x94: {  	v18 =	vadd.f32 v21, v18;
	v28 =	vld.idx.msk [tilespmem:v11+s30+$0x2070 ss:$0x1], $0xffff  }
0x95: {  	v16 =	vadd.f32 v22, v16;
	v24 =	vld.idx.msk [tilespmem:v11+s30+$0x2400 ss:$0x1], $0xffff  }
.Ltmp0:
0x96: {  	v12 =	vadd.f32 v23, v12;
	v20 =	vld.idx.msk [tilespmem:v11+s30+$0x2410 ss:$0x1], $0xffff;
	(pc) =	sbr.rel @p0 .LBB2_4-.Ltmp0, $4  }
0x97: {  	v13 =	vadd.f32 v25, v13;
	v21 =	vld.idx.msk [tilespmem:v11+s30+$0x2420 ss:$0x1], $0xffff  }
0x98: {  	v14 =	vadd.f32 v27, v14;
	v22 =	vld.idx.msk [tilespmem:v11+s30+$0x2430 ss:$0x1], $0xffff  }
0x99: {  	s31 =	sadd.s32 $0x80, s31;
	v15 =	vadd.f32 v26, v15;
	v23 =	vld.idx.msk [tilespmem:v11+s30+$0x2440 ss:$0x1], $0xffff  }
0x9a: {  	s1 =	sand.u32 $0x800, s0;
	s0 =	sadd.s32 $0x100, s0;
	s4 =	sand.u32 $0x380, s31;
	v17 =	vadd.f32 v28, v17;
	v25 =	vld.idx.msk [tilespmem:v11+s30+$0x2450 ss:$0x1], $0xffff  }
0x9b: {  	_ =	sdelay $0x3  }
0x9c: {  	s0 =	sor.u32 s4, s1;
	v26 =	vld.idx.msk [tilespmem:v11+s30+$0x2460 ss:$0x1], $0xffff  }
0x9d: {  	v27 =	vld.idx.msk [tilespmem:v11+s0+$0x2470 ss:$0x1], $0xffff  }
0x9e: {  	v28 =	vld.idx.msk [tilespmem:v11+s0+$0x2000 ss:$0x1], $0xffff  }
0x9f: {  	v29 =	vld.idx.msk [tilespmem:v11+s0+$0x2010 ss:$0x1], $0xffff  }
0xa0: {  	v30 =	vld.idx.msk [tilespmem:v11+s0+$0x2020 ss:$0x1], $0xffff  }
0xa1: {  	v31 =	vld.idx.msk [tilespmem:v11+s0+$0x2030 ss:$0x1], $0xffff  }
0xa2: {  	v32 =	vld.idx.msk [tilespmem:v11+s0+$0x2040 ss:$0x1], $0xffff  }
0xa3: {  	v33 =	vld.idx.msk [tilespmem:v11+s0+$0x2050 ss:$0x1], $0xffff  }
0xa4: {  	v34 =	vld.idx.msk [tilespmem:v11+s0+$0x2060 ss:$0x1], $0xffff  }
0xa5: {  	v35 =	vld.idx.msk [tilespmem:v11+s0+$0x2070 ss:$0x1], $0xffff  }
0xa6: {  	v36 =	vld.idx.msk [tilespmem:v11+s0+$0x2400 ss:$0x1], $0xffff  }
0xa7: {  	v37 =	vld.idx.msk [tilespmem:v11+s0+$0x2410 ss:$0x1], $0xffff  }
0xa8: {  	v38 =	vld.idx.msk [tilespmem:v11+s0+$0x2420 ss:$0x1], $0xffff  }
0xa9: {  	v39 =	vld.idx.msk [tilespmem:v11+s0+$0x2430 ss:$0x1], $0xffff  }
0xaa: {  	s30 =	sshll.u32 s29, $0x7;
	v40 =	vld.idx.msk [tilespmem:v11+s0+$0x2440 ss:$0x1], $0xffff;
	v19 =	vadd.f32 v28, v19  }
0xab: {  	v59 =	vld.idx.msk [tilespmem:v11+s0+$0x2450 ss:$0x1], $0xffff;
	s31 =	sand.u32 $0x3FFFFF80, s30;
	v18 =	vadd.f32 v29, v18  }
0xac: {  	v60 =	vld.idx.msk [tilespmem:v11+s0+$0x2460 ss:$0x1], $0xffff;
	v16 =	vadd.f32 v30, v16;
	[tilespmem:s31+$0xA000] =	vst v19  }
0xad: {  	v12 =	vadd.f32 v31, v12;
	[tilespmem:s31+$0xA010] =	vst v18  }
0xae: {  	v13 =	vadd.f32 v32, v13;
	[tilespmem:s31+$0xA020] =	vst v16  }
0xaf: {  	v14 =	vadd.f32 v33, v14;
	[tilespmem:s31+$0xA030] =	vst v12  }
0xb0: {  	v10 =	vadd.f32 v24, v10;
	v61 =	vadd.f32 v34, v15;
	[tilespmem:s31+$0xA040] =	vst v13  }
0xb1: {  	v8 =	vadd.f32 v20, v8;
	v62 =	vadd.f32 v35, v17;
	[tilespmem:s31+$0xA050] =	vst v14  }
0xb2: {  	v7 =	vadd.f32 v21, v7;
	v10 =	vadd.f32 v36, v10;
	[tilespmem:s31+$0xA060] =	vst v61  }
0xb3: {  	v6 =	vadd.f32 v22, v6;
	v8 =	vadd.f32 v37, v8;
	[tilespmem:s31+$0xA070] =	vst v62  }
0xb4: {  	v5 =	vadd.f32 v23, v5;
	v7 =	vadd.f32 v38, v7;
	[tilespmem:s31+$0xA400] =	vst v10  }
0xb5: {  	s29 =	sadd.s32 $0x1, s29;
	v3 =	vadd.f32 v25, v3;
	v6 =	vadd.f32 v39, v6;
	[tilespmem:s31+$0xA410] =	vst v8  }
0xb6: {  	p0 =	sne.s32 s29, $0x8;
	v5 =	vadd.f32 v40, v5;
	[tilespmem:s31+$0xA420] =	vst v7  }
.Ltmp1:
0xb7: {  	v4 =	vadd.f32 v26, v4;
	v3 =	vadd.f32 v59, v3;
	[tilespmem:s31+$0xA430] =	vst v6;
	(pc) =	sbr.rel @p0 .LBB2_3-.Ltmp1, $4  }
0xb8: {  	v63 =	vadd.f32 v27, v9;
	[tilespmem:s31+$0xA440] =	vst v5  }
0xb9: {  	v4 =	vadd.f32 v60, v4;
	[tilespmem:s31+$0xA450] =	vst v3  }
0xba: {  	[tilespmem:s31+$0xA470] =	vst v63  }
0xbb: {  	[tilespmem:s31+$0xA460] =	vst v4  }
0xbc: {  	s0 =	sshll.u32 s28, $0x8;
	s28 =	sadd.s32 $0x1, s28  }
0xbd: {  	p0 =	sne.s32 s28, $0x40  }
.Ltmp2:
0xbe: {  	s0 =	sadd.s32 s0, s5;
	(pc) =	sbr.rel @p0 .LBB2_2-.Ltmp2, $4  }
0xbf: {  	[hbm4b:s0+s2] =	stream.linear.scatter [tilespmem:s25], [sflag:$0x2], $0x800, $0x38;
	[tilespmem:$0xA800] =	vst v63  }
0xc0: {  	_ =	swait.ge [sflag:s7], $0x800  }
0xc1: {  	[sflag:s7] =	ssyncset.done $0x0  }
0xc2: {  	[sflag:s7] =	ssyncadd.s32 $0xFFFFF800  }
0xc3: {  	s26 =	sadd.s32 $0x1, s26  }
0xc4: {  	p0 =	sne.s32 s26, s6  }
.Ltmp3:
0xc5: {  	_ = 	snop;
	(pc) =	sbr.rel @p0 .LBB2_1-.Ltmp3, $1  }
0xc6: {  	_ =	sdelay $0x3  }
0xc7: {  	_ =	sfence.sel $0x180000  }
0xc8: {  	[bflag:$0x0] =	sbarrier.arrive $0xFFFF  }
0xc9: {  	_ =	strace $0x90000047  }
0xca: {  	s0 =	stileid.u32;
	[bflag:$0x2] =	sbarrier.arrive $0xFFFF  }
0xcb: {  	p0 =	sne.s32 s0, $0x0;
	s0 =	rddreg [dreg:$0x2]  }
0xcc: {  	s0 =	sadd.s32 @!p0 $0x100000, s0  }
0xcd: {  	[sflag:s0] =	ssyncadd.tile.s32 @!p0 $0x1;
	_ =	shalt  }
.Lfunc_end2:
_tile_overlayer_lowered:
.L_overlay_start_2:
0xce: {  	(tag) =	ssettag $0x2  }
0xcf: {  	s0 =	rddreg [dreg:$0x0];
	s2 =	stileid.u32  }
0xd0: {  	s1 =	rddreg [dreg:$0x1];
	p0 =	sne.s32 s2, $0x0  }
0xd1: {  	s3 =	rddreg [dreg:$0x2];
	[bflag:$0x3] =	sbarrier.arrive $0xFFFF;
	s2 =	simm.s32 @!p0 $0x1C02  }
0xd2: {  	[timem:s3], [sflag:s2] =	dma.local @!p0 [hbm:s0], s1  }
0xd3: {  	s0 =	simm.s32 @!p0 $0x2  }
0xd4: {  	_ =	swait.ge @!p0 [sflag:s0], s1  }
0xd5: {  	s1 =	ssub.s32 @!p0 $0x0, s1;
	[sflag:s0] =	ssyncset.done @!p0 $0x0  }
0xd6: {  	[sflag:s0] =	ssyncadd.s32 @!p0 s1  }
0xd7: {  	[bflag:$0x3] =	sbarrier.arrive $0xFFFF  }
0xd8: {  	_ =	shalt  }

</sc_bundles>
